<compile_context>
chip_gen: v7x
topology: tpu7x:2x2x1
jax: 0.10.2.dev20260603
libtpu: 0.0.44.dev20260713+nightly
codegen_flags: <defaults>
</compile_context>

<pallas_src>
import functools

import jax
import jax.numpy as jnp
from jax import lax
from jax.experimental import pallas as pl
from jax.experimental.pallas import tpu as pltpu
from jax.experimental.pallas import tpu_sc as plsc

_NUM_PORTS = 100000
_EMBED_DIM = 128
_HIDDEN_DIM = 512
_BATCH = 4096

_NC = 2
_NS = 16
_NW = _NC * _NS
_B_PER_W = _BATCH // _NW

_BN = 1024


def _sc_gather(ship_embed, port_embed, ships, start_ports):
    mesh = plsc.VectorSubcoreMesh(core_axis_name="c", subcore_axis_name="s")

    @functools.partial(
        pl.kernel,
        mesh=mesh,
        out_type=[
            jax.ShapeDtypeStruct((_BATCH, _EMBED_DIM), jnp.float32),
            jax.ShapeDtypeStruct((_BATCH, _EMBED_DIM), jnp.float32),
        ],
        scratch_types=[
            pltpu.VMEM((_B_PER_W,), jnp.int32),
            pltpu.VMEM((_B_PER_W, _EMBED_DIM), jnp.float32),
            pltpu.VMEM((_B_PER_W,), jnp.int32),
            pltpu.VMEM((_B_PER_W, _EMBED_DIM), jnp.float32),
            pltpu.SemaphoreType.DMA,
            pltpu.SemaphoreType.DMA,
        ],
    )
    def k(ship_tab, port_tab, ships_hbm, ports_hbm, ship_out, port_out,
          idx_a, rows_a, idx_b, rows_b, sem_a, sem_b):
        wid = lax.axis_index("s") * _NC + lax.axis_index("c")
        base = wid * _B_PER_W
        pltpu.sync_copy(ships_hbm.at[pl.ds(base, _B_PER_W)], idx_a)
        pltpu.sync_copy(ports_hbm.at[pl.ds(base, _B_PER_W)], idx_b)
        cp_a = pltpu.async_copy(ship_tab.at[idx_a], rows_a, sem_a)
        cp_b = pltpu.async_copy(port_tab.at[idx_b], rows_b, sem_b)
        cp_a.wait()
        pltpu.sync_copy(rows_a, ship_out.at[pl.ds(base, _B_PER_W)])
        cp_b.wait()
        pltpu.sync_copy(rows_b, port_out.at[pl.ds(base, _B_PER_W)])

    return k(ship_embed, port_embed, ships, start_ports)


def _mlp_head_body(sg, pg, w1, b1, w2, b2, out):
    combined = jnp.concatenate(
        [sg[...], pg[...]], axis=1).astype(jnp.bfloat16)
    h1 = jnp.dot(combined, w1[...].astype(jnp.bfloat16),
                 preferred_element_type=jnp.float32)
    h1 = jnp.maximum(h1 + b1[...], 0.0).astype(jnp.bfloat16)
    h2 = jnp.dot(h1, w2[...].astype(jnp.bfloat16),
                 preferred_element_type=jnp.float32)
    h2 = jnp.maximum(h2 + b2[...], 0.0)
    out[...] = h2.astype(jnp.bfloat16)


def _mlp_head(ship_rows, port_rows, W1, b1, W2, b2):
    return pl.pallas_call(
        _mlp_head_body,
        out_shape=jax.ShapeDtypeStruct((_BATCH, _HIDDEN_DIM), jnp.bfloat16),
    )(ship_rows, port_rows, W1, b1.reshape(1, _HIDDEN_DIM),
      W2, b2.reshape(1, _HIDDEN_DIM))


def _proj_body(h2, w3, b3, out):
    acc = jnp.dot(h2[...], w3[...].astype(jnp.bfloat16),
                  preferred_element_type=jnp.float32)
    out[...] = acc + b3[...]


def _projection(h2, W3, b3):
    return pl.pallas_call(
        _proj_body,
        grid=(pl.cdiv(_NUM_PORTS, _BN),),
        in_specs=[
            pl.BlockSpec((_BATCH, _HIDDEN_DIM), lambda n: (0, 0)),
            pl.BlockSpec((_HIDDEN_DIM, _BN), lambda n: (0, n)),
            pl.BlockSpec((1, _BN), lambda n: (0, n)),
        ],
        out_specs=pl.BlockSpec((_BATCH, _BN), lambda n: (0, n)),
        out_shape=jax.ShapeDtypeStruct((_BATCH, _NUM_PORTS), jnp.float32),
        compiler_params=pltpu.CompilerParams(
            dimension_semantics=("parallel",),
            vmem_limit_bytes=100 * 1024 * 1024),
    )(h2, W3, b3.reshape(1, _NUM_PORTS))


def kernel(ships, start_ports, ship_embed, port_embed, W1, b1, W2, b2, W3, b3):
    ship_rows, port_rows = _sc_gather(ship_embed, port_embed, ships, start_ports)
    h2 = _mlp_head(ship_rows, port_rows, W1, b1, W2, b2)
    return _projection(h2, W3, b3)

# --- scband reference (transcript-rebuilt; emitter-appended) ---
"""Pipeline reference for scband-port-prediction-model-63187558858815 (READ-ONLY COPY).

The authoritative reference and input builder live on the scoring server;
editing this copy changes nothing except your own understanding.
"""

import jax, jax.numpy as jnp
import numpy as np

NUM_SHIPS = 100000
NUM_PORTS = 100000
EMBED_DIM = 128
HIDDEN_DIM = 512
BATCH = 4096

def setup_inputs(seed: int = 0) -> dict:
    key = jax.random.key(seed)
    ks = jax.random.split(key, 10)
    ships = jax.random.randint(ks[0], (BATCH,), 0, NUM_SHIPS, dtype=jnp.int64 if jax.config.jax_enable_x64 else jnp.int32)
    start_ports = jax.random.randint(ks[1], (BATCH,), 0, NUM_PORTS, dtype=jnp.int64 if jax.config.jax_enable_x64 else jnp.int32)
    ship_embed = jax.random.normal(ks[2], (NUM_SHIPS, EMBED_DIM), dtype=jnp.float32) * 0.02
    port_embed = jax.random.normal(ks[3], (NUM_PORTS, EMBED_DIM), dtype=jnp.float32) * 0.02
    # Kaiming normal (fan_out, relu): std = sqrt(2 / fan_out)
    W1 = jax.random.normal(ks[4], (EMBED_DIM * 2, HIDDEN_DIM), dtype=jnp.float32) * np.sqrt(2.0 / HIDDEN_DIM)
    b1 = jnp.zeros((HIDDEN_DIM,), dtype=jnp.float32)
    W2 = jax.random.normal(ks[5], (HIDDEN_DIM, HIDDEN_DIM), dtype=jnp.float32) * np.sqrt(2.0 / HIDDEN_DIM)
    b2 = jnp.zeros((HIDDEN_DIM,), dtype=jnp.float32)
    W3 = jax.random.normal(ks[6], (HIDDEN_DIM, NUM_PORTS), dtype=jnp.float32) * np.sqrt(2.0 / NUM_PORTS)
    b3 = jnp.zeros((NUM_PORTS,), dtype=jnp.float32)
    return {"ships": ships, "start_ports": start_ports,
            "ship_embed": ship_embed, "port_embed": port_embed,
            "W1": W1, "b1": b1, "W2": W2, "b2": b2, "W3": W3, "b3": b3}

def reference(ships, start_ports, ship_embed, port_embed, W1, b1, W2, b2, W3, b3):
    ship_emb = jnp.take(ship_embed, ships, axis=0)
    port_emb = jnp.take(port_embed, start_ports, axis=0)
    combined = jnp.concatenate([ship_emb, port_emb], axis=1)
    h = jnp.maximum(combined @ W1 + b1, 0.0)
    h = jnp.maximum(h @ W2 + b2, 0.0)
    logits = h @ W3 + b3
    return logits

if __name__ == "__main__":
    import jax
    _d = setup_inputs()
    print(jax.jit(kernel)(*tuple(_d.values())))

</pallas_src>

<mosaic_0001>
#map = affine_map<(d0, d1) -> (0, 0)>
#map1 = affine_map<(d0, d1) -> (0)>
module attributes {stable_mosaic.version = 14 : i64} {
  func.func @k(%arg0: i32, %arg1: i32, %arg2: memref<100000x128xf32, #tpu.memory_space<hbm>>, %arg3: memref<100000x128xf32, #tpu.memory_space<hbm>>, %arg4: memref<4096xi32, #tpu.memory_space<hbm>>, %arg5: memref<4096xi32, #tpu.memory_space<hbm>>, %arg6: memref<4096x128xf32, #tpu.memory_space<hbm>>, %arg7: memref<4096x128xf32, #tpu.memory_space<hbm>>, %arg8: memref<128xi32, #tpu.memory_space<vmem>>, %arg9: memref<128x128xf32, #tpu.memory_space<vmem>>, %arg10: memref<128xi32, #tpu.memory_space<vmem>>, %arg11: memref<128x128xf32, #tpu.memory_space<vmem>>, %arg12: memref<!tpu.dma_semaphore, #tpu.memory_space<semaphore_mem>>, %arg13: memref<!tpu.dma_semaphore, #tpu.memory_space<semaphore_mem>>) attributes {dimension_semantics = [#tpu.dimension_semantics<core_parallel>, #tpu.dimension_semantics<subcore_parallel>], iteration_bounds = array<i64: 2, 16>, scalar_prefetch = 0 : i64, scratch_operands = 6 : i64, tpu.core_type = #tpu.core_type<sc_vector_subcore>, window_params = [{transform_indices = #map}, {transform_indices = #map}, {transform_indices = #map1}, {transform_indices = #map1}, {transform_indices = #map}, {transform_indices = #map}]} {
    %mul3A = arith.constant 2 : i32
    %mul3A_0 = arith.muli %arg1, %mul3A : i32
    %add3A = arith.addi %mul3A_0, %arg0 : i32
    %mul3A_1 = arith.constant 128 : i32
    %mul3A_2 = arith.muli %add3A, %mul3A_1 : i32
    "tpu.region"() ({
      %run_scoped3A = tpu.sem_alloc : memref<!tpu.dma_semaphore, #tpu.memory_space<semaphore_mem>>
      %dma_start3A_13 = tpu.memref_slice %arg4[%mul3A_2] : memref<4096xi32, #tpu.memory_space<hbm>> -> memref<128xi32, #tpu.memory_space<hbm>>
      %dma_start3A_14 = tpu.memref_slice %arg4[%mul3A_2] : memref<4096xi32, #tpu.memory_space<hbm>> -> memref<128xi32, #tpu.memory_space<hbm>>
      tpu.enqueue_dma source(%dma_start3A_14 : memref<128xi32, #tpu.memory_space<hbm>>) target(%arg8 : memref<128xi32, #tpu.memory_space<vmem>>) target_semaphore(%run_scoped3A : memref<!tpu.dma_semaphore, #tpu.memory_space<semaphore_mem>>)
      %dma_wait3A_15 = tpu.memref_slice %arg4[%mul3A_2] : memref<4096xi32, #tpu.memory_space<hbm>> -> memref<128xi32, #tpu.memory_space<hbm>>
      %dma_wait3A_16 = tpu.memref_slice %arg4[%mul3A_2] : memref<4096xi32, #tpu.memory_space<hbm>> -> memref<128xi32, #tpu.memory_space<hbm>>
      tpu.wait_dma2 semaphore(%run_scoped3A : memref<!tpu.dma_semaphore, #tpu.memory_space<semaphore_mem>>) src(%dma_wait3A_16 : memref<128xi32, #tpu.memory_space<hbm>>) dst(%arg8 : memref<128xi32, #tpu.memory_space<vmem>>)
      tpu.yield
    }) : () -> ()
    "tpu.region"() ({
      %run_scoped3A = tpu.sem_alloc : memref<!tpu.dma_semaphore, #tpu.memory_space<semaphore_mem>>
      %dma_start3A_13 = tpu.memref_slice %arg5[%mul3A_2] : memref<4096xi32, #tpu.memory_space<hbm>> -> memref<128xi32, #tpu.memory_space<hbm>>
      %dma_start3A_14 = tpu.memref_slice %arg5[%mul3A_2] : memref<4096xi32, #tpu.memory_space<hbm>> -> memref<128xi32, #tpu.memory_space<hbm>>
      tpu.enqueue_dma source(%dma_start3A_14 : memref<128xi32, #tpu.memory_space<hbm>>) target(%arg10 : memref<128xi32, #tpu.memory_space<vmem>>) target_semaphore(%run_scoped3A : memref<!tpu.dma_semaphore, #tpu.memory_space<semaphore_mem>>)
      %dma_wait3A_15 = tpu.memref_slice %arg5[%mul3A_2] : memref<4096xi32, #tpu.memory_space<hbm>> -> memref<128xi32, #tpu.memory_space<hbm>>
      %dma_wait3A_16 = tpu.memref_slice %arg5[%mul3A_2] : memref<4096xi32, #tpu.memory_space<hbm>> -> memref<128xi32, #tpu.memory_space<hbm>>
      tpu.wait_dma2 semaphore(%run_scoped3A : memref<!tpu.dma_semaphore, #tpu.memory_space<semaphore_mem>>) src(%dma_wait3A_16 : memref<128xi32, #tpu.memory_space<hbm>>) dst(%arg10 : memref<128xi32, #tpu.memory_space<vmem>>)
      tpu.yield
    }) : () -> ()
    %dma_start3A = arith.constant 0 : i32
    %dma_start3A_3 = arith.constant 0 : i32
    %dma_start3A_4 = tpu.memref_slice %arg2[%dma_start3A, %dma_start3A_3] : memref<100000x128xf32, #tpu.memory_space<hbm>> -> memref<100000x128xf32, #tpu.memory_space<hbm>>
    tpu.enqueue_indirect_dma source(%dma_start3A_4 : memref<100000x128xf32, #tpu.memory_space<hbm>>) target(%arg9 : memref<128x128xf32, #tpu.memory_space<vmem>>) offsets(%arg8 : memref<128xi32, #tpu.memory_space<vmem>>) semaphore(%arg12 : memref<!tpu.dma_semaphore, #tpu.memory_space<semaphore_mem>>)
    %dma_start3A_5 = arith.constant 0 : i32
    %dma_start3A_6 = arith.constant 0 : i32
    %dma_start3A_7 = tpu.memref_slice %arg3[%dma_start3A_5, %dma_start3A_6] : memref<100000x128xf32, #tpu.memory_space<hbm>> -> memref<100000x128xf32, #tpu.memory_space<hbm>>
    tpu.enqueue_indirect_dma source(%dma_start3A_7 : memref<100000x128xf32, #tpu.memory_space<hbm>>) target(%arg11 : memref<128x128xf32, #tpu.memory_space<vmem>>) offsets(%arg10 : memref<128xi32, #tpu.memory_space<vmem>>) semaphore(%arg13 : memref<!tpu.dma_semaphore, #tpu.memory_space<semaphore_mem>>)
    %dma_wait3A = arith.constant 0 : i32
    %dma_wait3A_8 = arith.constant 0 : i32
    %dma_wait3A_9 = tpu.memref_slice %arg2[%dma_wait3A, %dma_wait3A_8] : memref<100000x128xf32, #tpu.memory_space<hbm>> -> memref<100000x128xf32, #tpu.memory_space<hbm>>
    tpu.wait_indirect_dma semaphore(%arg12 : memref<!tpu.dma_semaphore, #tpu.memory_space<semaphore_mem>>) src(%dma_wait3A_9 : memref<100000x128xf32, #tpu.memory_space<hbm>>) dst(%arg9 : memref<128x128xf32, #tpu.memory_space<vmem>>)
    "tpu.region"() ({
      %run_scoped3A = tpu.sem_alloc : memref<!tpu.dma_semaphore, #tpu.memory_space<semaphore_mem>>
      %dma_start3A_13 = arith.constant 0 : i32
      %dma_start3A_14 = tpu.memref_slice %arg6[%mul3A_2, %dma_start3A_13] : memref<4096x128xf32, #tpu.memory_space<hbm>> -> memref<128x128xf32, #tpu.memory_space<hbm>>
      %dma_start3A_15 = arith.constant 0 : i32
      %dma_start3A_16 = tpu.memref_slice %arg6[%mul3A_2, %dma_start3A_15] : memref<4096x128xf32, #tpu.memory_space<hbm>> -> memref<128x128xf32, #tpu.memory_space<hbm>>
      tpu.enqueue_dma source(%arg9 : memref<128x128xf32, #tpu.memory_space<vmem>>) target(%dma_start3A_16 : memref<128x128xf32, #tpu.memory_space<hbm>>) target_semaphore(%run_scoped3A : memref<!tpu.dma_semaphore, #tpu.memory_space<semaphore_mem>>)
      %dma_wait3A_17 = arith.constant 0 : i32
      %dma_wait3A_18 = tpu.memref_slice %arg6[%mul3A_2, %dma_wait3A_17] : memref<4096x128xf32, #tpu.memory_space<hbm>> -> memref<128x128xf32, #tpu.memory_space<hbm>>
      %dma_wait3A_19 = arith.constant 0 : i32
      %dma_wait3A_20 = tpu.memref_slice %arg6[%mul3A_2, %dma_wait3A_19] : memref<4096x128xf32, #tpu.memory_space<hbm>> -> memref<128x128xf32, #tpu.memory_space<hbm>>
      tpu.wait_dma2 semaphore(%run_scoped3A : memref<!tpu.dma_semaphore, #tpu.memory_space<semaphore_mem>>) src(%arg9 : memref<128x128xf32, #tpu.memory_space<vmem>>) dst(%dma_wait3A_20 : memref<128x128xf32, #tpu.memory_space<hbm>>)
      tpu.yield
    }) : () -> ()
    %dma_wait3A_10 = arith.constant 0 : i32
    %dma_wait3A_11 = arith.constant 0 : i32
    %dma_wait3A_12 = tpu.memref_slice %arg3[%dma_wait3A_10, %dma_wait3A_11] : memref<100000x128xf32, #tpu.memory_space<hbm>> -> memref<100000x128xf32, #tpu.memory_space<hbm>>
    tpu.wait_indirect_dma semaphore(%arg13 : memref<!tpu.dma_semaphore, #tpu.memory_space<semaphore_mem>>) src(%dma_wait3A_12 : memref<100000x128xf32, #tpu.memory_space<hbm>>) dst(%arg11 : memref<128x128xf32, #tpu.memory_space<vmem>>)
    "tpu.region"() ({
      %run_scoped3A = tpu.sem_alloc : memref<!tpu.dma_semaphore, #tpu.memory_space<semaphore_mem>>
      %dma_start3A_13 = arith.constant 0 : i32
      %dma_start3A_14 = tpu.memref_slice %arg7[%mul3A_2, %dma_start3A_13] : memref<4096x128xf32, #tpu.memory_space<hbm>> -> memref<128x128xf32, #tpu.memory_space<hbm>>
      %dma_start3A_15 = arith.constant 0 : i32
      %dma_start3A_16 = tpu.memref_slice %arg7[%mul3A_2, %dma_start3A_15] : memref<4096x128xf32, #tpu.memory_space<hbm>> -> memref<128x128xf32, #tpu.memory_space<hbm>>
      tpu.enqueue_dma source(%arg11 : memref<128x128xf32, #tpu.memory_space<vmem>>) target(%dma_start3A_16 : memref<128x128xf32, #tpu.memory_space<hbm>>) target_semaphore(%run_scoped3A : memref<!tpu.dma_semaphore, #tpu.memory_space<semaphore_mem>>)
      %dma_wait3A_17 = arith.constant 0 : i32
      %dma_wait3A_18 = tpu.memref_slice %arg7[%mul3A_2, %dma_wait3A_17] : memref<4096x128xf32, #tpu.memory_space<hbm>> -> memref<128x128xf32, #tpu.memory_space<hbm>>
      %dma_wait3A_19 = arith.constant 0 : i32
      %dma_wait3A_20 = tpu.memref_slice %arg7[%mul3A_2, %dma_wait3A_19] : memref<4096x128xf32, #tpu.memory_space<hbm>> -> memref<128x128xf32, #tpu.memory_space<hbm>>
      tpu.wait_dma2 semaphore(%run_scoped3A : memref<!tpu.dma_semaphore, #tpu.memory_space<semaphore_mem>>) src(%arg11 : memref<128x128xf32, #tpu.memory_space<vmem>>) dst(%dma_wait3A_20 : memref<128x128xf32, #tpu.memory_space<hbm>>)
      tpu.yield
    }) : () -> ()
    return
  }
}

module attributes {stable_mosaic.version = 14 : i64} {
  func.func @_proj_body(%arg0: i32, %arg1: memref<4096x512xbf16, #tpu.memory_space<vmem>>, %arg2: memref<512x1024xf32, #tpu.memory_space<vmem>>, %arg3: memref<1x1024xf32, #tpu.memory_space<vmem>>, %arg4: memref<4096x1024xf32, #tpu.memory_space<vmem>>) attributes {dimension_semantics = [#tpu.dimension_semantics<parallel>], iteration_bounds = array<i64: 98>, scalar_prefetch = 0 : i64, scratch_operands = 0 : i64, tpu.core_type = #tpu.core_type<tc>, window_params = [{pipeline_mode = #tpu.pipeline_mode<synchronous>, transform_indices = @transform_0, window_bounds = array<i64: 4096, 512>}, {transform_indices = @transform_1, window_bounds = array<i64: 512, 1024>}, {transform_indices = @transform_2, window_bounds = array<i64: 1, 1024>}, {transform_indices = @transform_3, window_bounds = array<i64: 4096, 1024>}]} {
    %get3A = arith.constant 0 : index
    %get3A_0 = arith.constant 0 : index
    %get3A_1 = vector.load %arg1[%get3A, %get3A_0] : memref<4096x512xbf16, #tpu.memory_space<vmem>>, vector<4096x512xbf16>
    %get3A_2 = arith.constant 0 : index
    %get3A_3 = arith.constant 0 : index
    %get3A_4 = vector.load %arg2[%get3A_2, %get3A_3] : memref<512x1024xf32, #tpu.memory_space<vmem>>, vector<512x1024xf32>
    %convert_element_type3A = arith.truncf %get3A_4 : vector<512x1024xf32> to vector<512x1024xbf16>
    %dot_general3A = arith.constant dense<0.000000e+00> : vector<4096x1024xf32>
    %dot_general3A_5 = tpu.matmul %get3A_1, %convert_element_type3A, %dot_general3A {dimension_numbers = #tpu.dot_dimension_numbers<[1], [0], [0], [1], [0, 0, 1, 1], [], []>, transpose_lhs_hint = false} : vector<4096x512xbf16>, vector<512x1024xbf16>, vector<4096x1024xf32> -> vector<4096x1024xf32>
    %get3A_6 = arith.constant 0 : index
    %get3A_7 = arith.constant 0 : index
    %get3A_8 = vector.load %arg3[%get3A_6, %get3A_7] : memref<1x1024xf32, #tpu.memory_space<vmem>>, vector<1x1024xf32>
    %add3A = vector.broadcast %get3A_8 : vector<1x1024xf32> to vector<4096x1024xf32>
    %add3A_9 = arith.addf %dot_general3A_5, %add3A : vector<4096x1024xf32>
    %swap3A = arith.constant 0 : index
    %swap3A_10 = arith.constant 0 : index
    %swap3A_11 = vector.load %arg4[%swap3A, %swap3A_10] : memref<4096x1024xf32, #tpu.memory_space<vmem>>, vector<4096x1024xf32>
    tpu.vector_store %arg4[%swap3A, %swap3A_10], %add3A_9 {strides = array<i32>} : memref<4096x1024xf32, #tpu.memory_space<vmem>>, vector<4096x1024xf32>,
    return
  }
  func.func @transform_0(%arg0: i32) -> (i32, i32) {
    %c0_i32 = arith.constant 0 : i32
    %c0_i32_0 = arith.constant 0 : i32
    %c0_i32_1 = arith.constant 0 : i32
    return %c0_i32, %c0_i32_0 : i32, i32
  }
  func.func @transform_1(%arg0: i32) -> (i32, i32) {
    %c0_i32 = arith.constant 0 : i32
    %c0_i32_0 = arith.constant 0 : i32
    return %c0_i32, %arg0 : i32, i32
  }
  func.func @transform_2(%arg0: i32) -> (i32, i32) {
    %c0_i32 = arith.constant 0 : i32
    %c0_i32_0 = arith.constant 0 : i32
    return %c0_i32, %arg0 : i32, i32
  }
  func.func @transform_3(%arg0: i32) -> (i32, i32) {
    %c0_i32 = arith.constant 0 : i32
    %c0_i32_0 = arith.constant 0 : i32
    return %c0_i32, %arg0 : i32, i32
  }
}

module attributes {stable_mosaic.version = 14 : i64} {
  func.func @_mlp_head_body(%arg0: memref<4096x128xf32, #tpu.memory_space<vmem>>, %arg1: memref<4096x128xf32, #tpu.memory_space<vmem>>, %arg2: memref<256x512xf32, #tpu.memory_space<vmem>>, %arg3: memref<1x512xf32, #tpu.memory_space<vmem>>, %arg4: memref<512x512xf32, #tpu.memory_space<vmem>>, %arg5: memref<1x512xf32, #tpu.memory_space<vmem>>, %arg6: memref<4096x512xbf16, #tpu.memory_space<vmem>>) attributes {dimension_semantics = [], scalar_prefetch = 0 : i64, scratch_operands = 0 : i64, tpu.core_type = #tpu.core_type<tc>} {
    %get3A = arith.constant 0 : index
    %get3A_0 = arith.constant 0 : index
    %get3A_1 = vector.load %arg0[%get3A, %get3A_0] : memref<4096x128xf32, #tpu.memory_space<vmem>>, vector<4096x128xf32>
    %get3A_2 = arith.constant 0 : index
    %get3A_3 = arith.constant 0 : index
    %get3A_4 = vector.load %arg1[%get3A_2, %get3A_3] : memref<4096x128xf32, #tpu.memory_space<vmem>>, vector<4096x128xf32>
    %concatenate3A = tpu.concatenate %get3A_1, %get3A_4 in 1 : vector<4096x128xf32>, vector<4096x128xf32> -> vector<4096x256xf32>
    %convert_element_type3A = arith.truncf %concatenate3A : vector<4096x256xf32> to vector<4096x256xbf16>
    %get3A_5 = arith.constant 0 : index
    %get3A_6 = arith.constant 0 : index
    %get3A_7 = vector.load %arg2[%get3A_5, %get3A_6] : memref<256x512xf32, #tpu.memory_space<vmem>>, vector<256x512xf32>
    %convert_element_type3A_8 = arith.truncf %get3A_7 : vector<256x512xf32> to vector<256x512xbf16>
    %dot_general3A = arith.constant dense<0.000000e+00> : vector<4096x512xf32>
    %dot_general3A_9 = tpu.matmul %convert_element_type3A, %convert_element_type3A_8, %dot_general3A {dimension_numbers = #tpu.dot_dimension_numbers<[1], [0], [0], [1], [0, 0, 1, 1], [], []>, transpose_lhs_hint = false} : vector<4096x256xbf16>, vector<256x512xbf16>, vector<4096x512xf32> -> vector<4096x512xf32>
    %get3A_10 = arith.constant 0 : index
    %get3A_11 = arith.constant 0 : index
    %get3A_12 = vector.load %arg3[%get3A_10, %get3A_11] : memref<1x512xf32, #tpu.memory_space<vmem>>, vector<1x512xf32>
    %add3A = vector.broadcast %get3A_12 : vector<1x512xf32> to vector<4096x512xf32>
    %add3A_13 = arith.addf %dot_general3A_9, %add3A : vector<4096x512xf32>
    %max3A = arith.constant 0.000000e+00 : f32
    %max3A_14 = vector.broadcast %max3A : f32 to vector<4096x512xf32>
    %max3A_15 = arith.maximumf %add3A_13, %max3A_14 : vector<4096x512xf32>
    %convert_element_type3A_16 = arith.truncf %max3A_15 : vector<4096x512xf32> to vector<4096x512xbf16>
    %get3A_17 = arith.constant 0 : index
    %get3A_18 = arith.constant 0 : index
    %get3A_19 = vector.load %arg4[%get3A_17, %get3A_18] : memref<512x512xf32, #tpu.memory_space<vmem>>, vector<512x512xf32>
    %convert_element_type3A_20 = arith.truncf %get3A_19 : vector<512x512xf32> to vector<512x512xbf16>
    %dot_general3A_21 = arith.constant dense<0.000000e+00> : vector<4096x512xf32>
    %dot_general3A_22 = tpu.matmul %convert_element_type3A_16, %convert_element_type3A_20, %dot_general3A_21 {dimension_numbers = #tpu.dot_dimension_numbers<[1], [0], [0], [1], [0, 0, 1, 1], [], []>, transpose_lhs_hint = false} : vector<4096x512xbf16>, vector<512x512xbf16>, vector<4096x512xf32> -> vector<4096x512xf32>
    %get3A_23 = arith.constant 0 : index
    %get3A_24 = arith.constant 0 : index
    %get3A_25 = vector.load %arg5[%get3A_23, %get3A_24] : memref<1x512xf32, #tpu.memory_space<vmem>>, vector<1x512xf32>
    %add3A_26 = vector.broadcast %get3A_25 : vector<1x512xf32> to vector<4096x512xf32>
    %add3A_27 = arith.addf %dot_general3A_22, %add3A_26 : vector<4096x512xf32>
    %max3A_28 = arith.constant 0.000000e+00 : f32
    %max3A_29 = vector.broadcast %max3A_28 : f32 to vector<4096x512xf32>
    %max3A_30 = arith.maximumf %add3A_27, %max3A_29 : vector<4096x512xf32>
    %convert_element_type3A_31 = arith.truncf %max3A_30 : vector<4096x512xf32> to vector<4096x512xbf16>
    %swap3A = arith.constant 0 : index
    %swap3A_32 = arith.constant 0 : index
    %swap3A_33 = vector.load %arg6[%swap3A, %swap3A_32] : memref<4096x512xbf16, #tpu.memory_space<vmem>>, vector<4096x512xbf16>
    tpu.vector_store %arg6[%swap3A, %swap3A_32], %convert_element_type3A_31 {strides = array<i32>} : memref<4096x512xbf16, #tpu.memory_space<vmem>>, vector<4096x512xbf16>,
    return
  }
}

</mosaic_0001>

<sc_bundles>
// kernel: kernel.5.cloned.1.call-start
scs
__scs_entry_jumppad:
0x0: {  	(pc) =	sbr.rel $0x88, $3  }
0x1: {  	(tag) =	ssettag $0x0;
	lr =	simm.s32 $0x1  }
0x2: {  	[smem:$0x3F97] =	sst lr;
	_ =	strace $0xD0000000  }
0x3: {  	_ = 	snop  }
0x4: {  	_ = 	snop  }
0x5: {  	_ = 	snop  }
0x6: {  	_ = 	snop  }
0x7: {  	_ = 	snop  }
__scs_overlays_trampoline_lowered:
0x8: {  	[smem:$0x3FA6] =	sst s0  }
0x9: {  	[smem:$0x3FA7] =	sst s1  }
0xa: {  	[smem:$0x3FA8] =	sst s2  }
0xb: {  	[smem:$0x3FA9] =	sst s3  }
0xc: {  	[smem:$0x3FAA] =	sst s4  }
0xd: {  	[smem:$0x3FAB] =	sst s5  }
0xe: {  	[smem:$0x3FAC] =	sst s6  }
0xf: {  	[smem:$0x3FAD] =	sst s7  }
0x10: {  	[smem:$0x3FAE] =	sst s8  }
0x11: {  	[smem:$0x3FAF] =	sst s9;
	s0 =	simm.s32 @!p0 $0x0  }
0x12: {  	s1 =	sld [smem:$0x3F95];
	s0 =	simm.s32 @p0 $0x1  }
0x13: {  	[smem:$0x3FB0] =	sst s0;
	s0 =	simm.s32 @!p1 $0x0  }
0x14: {  	s2 =	sld [smem:$0x3F94];
	s0 =	simm.s32 @p1 $0x1  }
0x15: {  	[smem:$0x3FB1] =	sst s0;
	s0 =	simm.s32 @!p2 $0x0  }
0x16: {  	s3 =	sld [smem:$0x3FDB];
	s0 =	simm.s32 @p2 $0x1  }
0x17: {  	s4 =	simm.s32 $0x1BF5;
	[smem:$0x3FB3] =	sst s0  }
0x18: {  	s0 =	sld [smem:$0x3F96];
	_ =	swait.ge [sflag:s4], $0x0  }
0x19: {  	s7 =	sld [smem:$0x3F97]  }
0x1a: {  	s8 =	sadd.s32 $0xFFFFE003, lr  }
0x1b: {  	s9 =	sadd.s32 $0xFFFFFEF7, lr;
	s5 =	simm.s32 $0xFFFFFFFF;
	p2 =	slt.u32 s8, $0xFFFFF086  }
0x1c: {  	p1 =	slt.u32 s9, $0xF7A;
	s5 =	simm.s32 @!p2 $0x0  }
0x1d: {  	s5 =	simm.s32 @p1 $0x1;
	p0 =	seq.s32 s7, s2  }
0x1e: {  	s7 =	smul.u32 @!p0 $0xF7A, s2;
	p2 =	seq.s32 @!p0 s5, $0x0  }
0x1f: {  	s9 =	smul.u32 $0xF7A, s1;
	s8 =	simm.s32 @!p0 $0x1BF5;
	p2 =	por !p2, p0  }
0x20: {  	[sflag:s8] =	ssyncset.s32 @!p0 $0xFFFFF086;
	s6 =	sadd.s32 @!p0 s3, s7;
	s7 =	simm.s32 @!p0 $0x108  }
0x21: {  	s3 =	sadd.s32 s3, s9;
	s6 =	sadd.s32 @!p0 $0x88, s6;
	s7 =	simm.s32 @p2 $0x1082  }
0x22: {  	[simem:s7], [sflag:s8] =	dma.local @!p0 [hbm:s6], $0xF7A  }
0x23: {  	s9 =	sor.u32 $0xD0000000, s2;
	s6 =	simm.s32 $0x108;
	_ =	swait.ge @!p0 [sflag:s8], $0x0  }
0x24: {  	s3 =	sadd.s32 $0x88, s3;
	s6 =	simm.s32 @!p1 $0x1082;
	[sflag:s4] =	ssyncset.s32 $0xFFFFF086  }
0x25: {  	[simem:s6], [sflag:s4] =	dma.local [hbm:s3], $0xF7A  }
0x26: {  	[smem:$0x3F97] =	sst s1;
	(tag) =	ssettag s2;
	_ =	strace s9  }
0x27: {  	s1 =	sld [smem:$0x3FA7]  }
0x28: {  	s2 =	sld [smem:$0x3FA8]  }
0x29: {  	s4 =	sld [smem:$0x3FAA]  }
0x2a: {  	p0 =	seq.s32 s5, $0x0;
	s5 =	sld [smem:$0x3FAB]  }
0x2b: {  	s6 =	sld [smem:$0x3FAC]  }
0x2c: {  	s7 =	sld [smem:$0x3FAD]  }
0x2d: {  	s3 =	simm.s32 $0x108;
	s8 =	sld [smem:$0x3FAE]  }
0x2e: {  	s3 =	simm.s32 @!p0 $0x1082;
	s9 =	sld [smem:$0x3FAF]  }
0x2f: {  	lr =	sadd.s32 s0, s3;
	s0 =	sld [smem:$0x3FA6]  }
0x30: {  	s3 =	sld [smem:$0x3FA9]  }
0x31: {  	[smem:$0x3FB2] =	sst s10  }
0x32: {  	s10 =	sld [smem:$0x3FB0];
	_ =	sdelay $0x3  }
0x33: {  	p0 =	seq.s32 s10, $0x1;
	s10 =	sld [smem:$0x3FB2];
	_ =	sdelay $0x3  }
0x34: {  	[smem:$0x3FB2] =	sst s10  }
0x35: {  	s10 =	sld [smem:$0x3FB1];
	_ =	sdelay $0x3  }
0x36: {  	p1 =	seq.s32 s10, $0x1;
	s10 =	sld [smem:$0x3FB2];
	_ =	sdelay $0x3  }
0x37: {  	[smem:$0x3FB2] =	sst s10  }
0x38: {  	s10 =	sld [smem:$0x3FB3]  }
0x39: {  	_ = 	snop;
	(pc) =	sbr.ind lr, $3  }
0x3a: {  	_ = 	snop  }
0x3b: {  	_ = 	snop  }
0x3c: {  	p2 =	seq.s32 s10, $0x1;
	s10 =	sld [smem:$0x3FB2]  }
0x3d: {  	_ =	shalt  }
0x3e: {  	_ =	shalt  }
0x3f: {  	_ =	shalt  }
0x40: {  	_ =	shalt  }
0x41: {  	_ =	shalt  }
0x42: {  	_ =	shalt  }
0x43: {  	_ =	shalt  }
0x44: {  	_ =	shalt  }
0x45: {  	_ =	shalt  }
0x46: {  	_ =	shalt  }
0x47: {  	_ =	shalt  }
0x48: {  	_ =	shalt  }
0x49: {  	_ =	shalt  }
0x4a: {  	_ =	shalt  }
0x4b: {  	_ =	shalt  }
0x4c: {  	_ =	shalt  }
0x4d: {  	_ =	shalt  }
0x4e: {  	_ =	shalt  }
0x4f: {  	_ =	shalt  }
0x50: {  	_ =	shalt  }
0x51: {  	_ =	shalt  }
0x52: {  	_ =	shalt  }
0x53: {  	_ =	shalt  }
0x54: {  	_ =	shalt  }
0x55: {  	_ =	shalt  }
0x56: {  	_ =	shalt  }
0x57: {  	_ =	shalt  }
0x58: {  	_ =	shalt  }
0x59: {  	_ =	shalt  }
0x5a: {  	_ =	shalt  }
0x5b: {  	_ =	shalt  }
0x5c: {  	_ =	shalt  }
0x5d: {  	_ =	shalt  }
0x5e: {  	_ =	shalt  }
0x5f: {  	_ =	shalt  }
0x60: {  	_ =	shalt  }
0x61: {  	_ =	shalt  }
0x62: {  	_ =	shalt  }
0x63: {  	_ =	shalt  }
0x64: {  	_ =	shalt  }
0x65: {  	_ =	shalt  }
0x66: {  	_ =	shalt  }
0x67: {  	_ =	shalt  }
0x68: {  	_ =	shalt  }
0x69: {  	_ =	shalt  }
0x6a: {  	_ =	shalt  }
0x6b: {  	_ =	shalt  }
0x6c: {  	_ =	shalt  }
0x6d: {  	_ =	shalt  }
0x6e: {  	_ =	shalt  }
0x6f: {  	_ =	shalt  }
0x70: {  	_ =	shalt  }
0x71: {  	_ =	shalt  }
0x72: {  	_ =	shalt  }
0x73: {  	_ =	shalt  }
0x74: {  	_ =	shalt  }
0x75: {  	_ =	shalt  }
0x76: {  	_ =	shalt  }
0x77: {  	_ =	shalt  }
0x78: {  	_ =	shalt  }
0x79: {  	_ =	shalt  }
0x7a: {  	_ =	shalt  }
0x7b: {  	_ =	shalt  }
0x7c: {  	_ =	shalt  }
0x7d: {  	_ =	shalt  }
0x7e: {  	_ =	shalt  }
0x7f: {  	_ =	shalt  }
0x80: {  	_ =	shalt  }
0x81: {  	_ =	shalt  }
0x82: {  	_ =	shalt  }
0x83: {  	_ =	shalt  }
0x84: {  	_ =	shalt  }
0x85: {  	_ =	shalt  }
0x86: {  	_ =	shalt  }
0x87: {  	_ =	shalt  }
.Lfunc_end0:
.L_simem_size_0:
called_computation_lowered:
.L_overlay_start_0:
0x88: {  	s2 =	sld [smem:$0x3FD9]  }
0x89: {  	s3 =	sld [smem:$0x3FFE];
	_ =	sdelay $0x1  }
0x8a: {  	s1 =	srdreg.scid  }
0x8b: {  	s0 =	sand.u32 $0x1, s1  }
0x8c: {  	s17 =	sshll.u32 s0, $0xA;
	s2 =	sadd.s32 s3, s2  }
0x8d: {  	s2 =	sadd.s32 s2, s17  }
0x8e: {  	[smem:$0x3FBE] =	sst s2  }
0x8f: {  	_ = 	snop  }
0x90: {  	s2 =	sld [smem:$0x3FC9]  }
0x91: {  	s18 =	sld [smem:$0x3FC8]  }
0x92: {  	s4 =	sld [smem:$0x3FC7]  }
0x93: {  	s5 =	sld [smem:$0x3FC6];
	(tm) =	ssettm $0x1  }
0x94: {  	s6 =	sld [smem:$0x3FFB];
	_ =	sdelay $0x3  }
0x95: {  	_ =	strace s6  }
0x96: {  	s6 =	sld [smem:$0x3FFC];
	_ =	sdelay $0x3  }
0x97: {  	_ =	strace s6  }
0x98: {  	s6 =	sld [smem:$0x3FFD];
	_ =	sdelay $0x3  }
0x99: {  	_ =	strace s6  }
0x9a: {  	_ =	strace $0x8FFFFFFF  }
0x9b: {  	s19 =	sld [smem:$0x3FDB];
	_ =	sdelay $0x1  }
0x9c: {  	s7 =	simm.s32 $_scs_section_size  }
0x9d: {  	s8 =	simm.s32 $_size__tile_overlayer_lowered;
	s9 =	simm.s32 $_tile_overlayer_lowered  }
0x9e: {  	s22 =	simm.s32 $0x1BFF;
	s21 =	sshll.u32 s9, $0x1;
	s6 =	sadd.s32 s7, s19  }
0x9f: {  	s10 =	simm.s32 $0x0;
	s20 =	sshll.u32 s8, $0x1;
	s8 =	sadd.s32 s21, s6  }
0xa0: {  	[timem:s10], [sflag:s22] =	dma.local [hbm:s8], s20  }
0xa1: {  	_ =	swait.ge [sflag:s22], s20  }
0xa2: {  	s7 =	ssub.s32 $0x0, s20;
	[sflag:s22] =	ssyncset.done $0x0  }
0xa3: {  	[sflag:s22] =	ssyncadd.s32 s7;
	_ =	sdelay $0x1  }
0xa4: {  	s23 =	simm.s32 $0x1B8B  }
0xa5: {  	_ =	swait.ge [sflag:s23], $0x1  }
0xa6: {  	[sflag:s23] =	ssyncset.done $0x0  }
0xa7: {  	s25 =	simm.s32 $0x1B8E;
	s24 =	sld [smem:$0x3FFE];
	[sflag:s23] =	ssyncadd.s32 $0xFFFFFFFF  }
0xa8: {  	s26 =	simm.s32 $execute0_lowered;
	[smem:$0x3FD2] =	sst s25  }
0xa9: {  	s8 =	sshll.u32 s26, $0x1;
	_ =	strace $0x80000046;
	[dreg:$0x1] =	wrdreg $0xFFFFFFFF  }
0xaa: {  	s28 =	simm.s32 $_size_execute0_lowered;
	s6 =	sadd.s32 s6, s8;
	[dreg:$0x0] =	wrdreg $0x0  }
0xab: {  	s8 =	sshll.u32 s28, $0x1;
	[dreg:$0x2] =	wrdreg s6  }
0xac: {  	[dreg:$0x3] =	wrdreg s8  }
0xad: {  	[dreg:$0x4] =	wrdreg $0xC0  }
0xae: {  	_ =	task [dreg:s10], $0x5FFFF  }
0xaf: {  	[dreg:$0x1] =	wrdreg $0xFFFFFFFF  }
0xb0: {  	[dreg:$0x0] =	wrdreg $0x60  }
0xb1: {  	[dreg:$0x2] =	wrdreg s4  }
0xb2: {  	[dreg:$0x3] =	wrdreg s5  }
0xb3: {  	[dreg:$0x4] =	wrdreg s2  }
0xb4: {  	[dreg:$0x5] =	wrdreg s18  }
0xb5: {  	[dreg:$0x6] =	wrdreg s24  }
0xb6: {  	[dreg:$0x7] =	wrdreg $0x9  }
0xb7: {  	_ =	task.clear_ibuf [dreg:s10], $0x8FFFF;
	_ =	strace $0x90000046  }
0xb8: {  	s29 =	simm.s32 $0x9;
	_ =	strace $0x80000048  }
0xb9: {  	_ =	swait.ge [sflag:s29], $0x1  }
0xba: {  	[sflag:s29] =	ssyncadd.s32 $0xFFFFFFFF  }
0xbb: {  	_ =	strace $0x90000048  }
0xbc: {  	_ =	sfence  }
0xbd: {  	s30 =	sld [smem:$0x0];
	_ =	sdelay $0x2  }
0xbe: {  	s31 =	sshll.u32 s1, $0xD;
	s1 =	sshrl.u32 s1, $0x2  }
0xbf: {  	s3 =	sand.u32 $0x4000, s31;
	s1 =	sadd.s32 s1, s30  }
0xc0: {  	s0 =	sor.u32 s3, s0;
	s1 =	sshll.u32 s1, $0x11  }
0xc1: {  	s0 =	sor.u32 s1, s0  }
0xc2: {  	s0 =	sadd.s32 $0x8F2B, s0  }
0xc3: {  	[sflag:s0] =	ssyncadd.remote.s32 $0x1  }
0xc4: {  	_ =	sfence.sel $0xFFFF  }
0xc5: {  	[dreg:$0x0] =	wrdreg $0xFFFFFFFF;
	(pc) =	sbr.abs _section_cstart, $3  }
0xc6: {  	[dreg:$0x1] =	wrdreg $0xFFFFFFFF  }
0xc7: {  	_ =	task.clear_ibuf [dreg:s10], $0x2FFFF;
	_ =	strace $0x9FFFFFFF  }
0xc8: {  	(tm) =	ssettm $0x7FFFFFFF  }
0xc9: {  	_ =	shalt  }
tec
execute0_lowered:
.L_overlay_start_1:
0x0: {  	(tag) =	ssettag $0x1  }
0x1: {  	s1 =	rddreg [dreg:$0x0]  }
0x2: {  	s2 =	rddreg [dreg:$0x1]  }
0x3: {  	s5 =	rddreg [dreg:$0x2];
	s3 =	srdreg.scid  }
0x4: {  	s7 =	rddreg [dreg:$0x3];
	s0 =	stileid.u32;
	s13 =	sand.u32 $0x1, s3  }
0x5: {  	s12 =	rddreg [dreg:$0x4];
	s6 =	sshll.u32 s0, $0x8;
	s8 =	sshll.u32 s13, $0x7  }
0x6: {  	s4 =	simm.s32 $0x0;
	s3 =	rddreg [dreg:$0x5];
	s14 =	sor.u32 s8, s6  }
0x7: {  	[smem:$0x7FF] =	sst s4;
	s8 =	sshrl.u32 s14, $0x3  }
0x8: {  	_ =	strace $0x80000047;
	s6 =	sadd.s32 s5, s8;
	s5 =	simm.s32 $0x3  }
0x9: {  	[tilespmem:s4], [sflag:$0x3] =	stream.linear.gather [hbm4b:s6+s4], $0x80, $0x38;
	[tilespmem:$0x8100] =	vst v63  }
0xa: {  	_ =	swait.ge [sflag:s5], $0x80  }
0xb: {  	[sflag:s5] =	ssyncset.done $0x0  }
0xc: {  	s7 =	sadd.s32 s7, s8;
	s8 =	simm.s32 $0x4080;
	[sflag:s5] =	ssyncadd.s32 $0xFFFFFF80  }
0xd: {  	[tilespmem:s8], [sflag:$0x3] =	stream.linear.gather [hbm4b:s7+s4], $0x80, $0x38;
	[tilespmem:$0x8100] =	vst v63  }
0xe: {  	_ =	swait.ge [sflag:s5], $0x80  }
0xf: {  	[sflag:s5] =	ssyncset.done $0x0  }
0x10: {  	s9 =	simm.s32 $0x80;
	[sflag:s5] =	ssyncadd.s32 $0xFFFFFF80  }
0x11: {  	[tilespmem:s9], [sflag:$0x1] =	stream.indirect.gather [hbm4b:s1+s9], $0x80, s4, s9, $0xb8;
	[tilespmem:$0x8100] =	vst v63  }
0x12: {  	s10 =	simm.s32 $0x4100;
	s11 =	simm.s32 $0x1  }
0x13: {  	[tilespmem:s10], [sflag:$0x2] =	stream.indirect.gather [hbm4b:s2+s9], $0x80, s8, s9, $0xb8;
	[tilespmem:$0x8100] =	vst v63  }
0x14: {  	s14 =	sshll.u32 s14, $0x4;
	_ =	swait.ge [sflag:s11], $0x4000  }
0x15: {  	s14 =	sadd.s32 s14, s12;
	[sflag:s11] =	ssyncset.done $0x0  }
0x16: {  	s15 =	ssub.s32 $0x2, s13;
	s12 =	sadd.s32 $0x1800, s14;
	[sflag:s11] =	ssyncadd.s32 $0xFFFFC000  }
0x17: {  	[hbm4b:s12+s4] =	stream.linear.scatter [tilespmem:s9], [sflag:$0x3], $0x4000, $0x38;
	[tilespmem:$0x8100] =	vst v63  }
0x18: {  	s16 =	sshrl.u32 s15, $0x1;
	_ =	swait.ge [sflag:s5], $0x4000  }
0x19: {  	s15 =	ssub.s32 s15, s16;
	[sflag:s5] =	ssyncset.done $0x0  }
0x1a: {  	s13 =	simm.s32 $0x2;
	s15 =	smax.u32 s15, $0x1;
	[sflag:s5] =	ssyncadd.s32 $0xFFFFC000  }
0x1b: {  	p0 =	sne.s32 s15, $0x1;
	_ =	swait.ge [sflag:s13], $0x4000  }
.Ltmp0:
0x1c: {  	[sflag:s13] =	ssyncset.done $0x0;
	(pc) =	sbr.rel @!p0 .LBB2_2-.Ltmp0, $4  }
0x1d: {  	s14 =	sadd.s32 $0x11800, s14;
	[sflag:s13] =	ssyncadd.s32 $0xFFFFC000  }
0x1e: {  	[hbm4b:s14+s4] =	stream.linear.scatter [tilespmem:s10], [sflag:$0x3], $0x4000, $0x38;
	[tilespmem:$0x8100] =	vst v63  }
0x1f: {  	_ =	swait.ge [sflag:s5], $0x4000  }
0x20: {  	s15 =	sadd.s32 $0xFFFFFFFF, s15;
	[sflag:s5] =	ssyncset.done $0x0  }
.LBB2_1:
0x21: {  	p0 =	sne.s32 s15, $0x1;
	s15 =	sadd.s32 $0xFFFFFFFF, s15;
	[sflag:s5] =	ssyncadd.s32 $0xFFFFC000  }
0x22: {  	[tilespmem:s4], [sflag:$0x3] =	stream.linear.gather [hbm4b:s6+s4], $0x80, $0x38;
	[tilespmem:$0x8100] =	vst v63  }
0x23: {  	_ =	swait.ge [sflag:s5], $0x80  }
0x24: {  	[sflag:s5] =	ssyncset.done $0x0  }
0x25: {  	[sflag:s5] =	ssyncadd.s32 $0xFFFFFF80  }
0x26: {  	[tilespmem:s8], [sflag:$0x3] =	stream.linear.gather [hbm4b:s7+s4], $0x80, $0x38;
	[tilespmem:$0x8100] =	vst v63  }
0x27: {  	_ =	swait.ge [sflag:s5], $0x80  }
0x28: {  	[sflag:s5] =	ssyncset.done $0x0  }
0x29: {  	[sflag:s5] =	ssyncadd.s32 $0xFFFFFF80  }
0x2a: {  	[tilespmem:s9], [sflag:$0x1] =	stream.indirect.gather [hbm4b:s1+s9], $0x80, s4, s9, $0xb8;
	[tilespmem:$0x8100] =	vst v63  }
0x2b: {  	_ = 	snop  }
0x2c: {  	[tilespmem:s10], [sflag:$0x2] =	stream.indirect.gather [hbm4b:s2+s9], $0x80, s8, s9, $0xb8;
	[tilespmem:$0x8100] =	vst v63  }
0x2d: {  	_ =	swait.ge [sflag:s11], $0x4000  }
0x2e: {  	[sflag:s11] =	ssyncset.done $0x0  }
0x2f: {  	[sflag:s11] =	ssyncadd.s32 $0xFFFFC000  }
0x30: {  	[hbm4b:s12+s4] =	stream.linear.scatter [tilespmem:s9], [sflag:$0x3], $0x4000, $0x38;
	[tilespmem:$0x8100] =	vst v63  }
0x31: {  	_ =	swait.ge [sflag:s5], $0x4000  }
0x32: {  	[sflag:s5] =	ssyncset.done $0x0  }
0x33: {  	[sflag:s5] =	ssyncadd.s32 $0xFFFFC000  }
0x34: {  	_ =	swait.ge [sflag:s13], $0x4000  }
.Ltmp1:
0x35: {  	[sflag:s13] =	ssyncset.done $0x0;
	(pc) =	sbr.rel @p0 .LBB2_1-.Ltmp1, $4  }
0x36: {  	[sflag:s13] =	ssyncadd.s32 $0xFFFFC000  }
0x37: {  	[hbm4b:s14+s4] =	stream.linear.scatter [tilespmem:s10], [sflag:$0x3], $0x4000, $0x38;
	[tilespmem:$0x8100] =	vst v63  }
0x38: {  	_ =	swait.ge [sflag:s5], $0x4000  }
0x39: {  	[sflag:s5] =	ssyncset.done $0x0  }
.LBB2_2:
0x3a: {  	[sflag:s5] =	ssyncadd.s32 $0xFFFFC000  }
0x3b: {  	_ =	sfence.sel $0x180000  }
0x3c: {  	[bflag:$0x0] =	sbarrier.arrive $0xFFFF  }
0x3d: {  	p0 =	sne.s32 s0, $0x0;
	_ =	strace $0x90000047  }
0x3e: {  	s0 =	sadd.s32 @!p0 $0x100000, s3;
	[bflag:$0x2] =	sbarrier.arrive $0xFFFF  }
0x3f: {  	[sflag:s0] =	ssyncadd.tile.s32 @!p0 $0x1;
	_ =	shalt  }
.Lfunc_end2:
_tile_overlayer_lowered:
.L_overlay_start_2:
0x40: {  	(tag) =	ssettag $0x2  }
0x41: {  	s0 =	rddreg [dreg:$0x0];
	s2 =	stileid.u32  }
0x42: {  	s1 =	rddreg [dreg:$0x1];
	p0 =	sne.s32 s2, $0x0  }
0x43: {  	s3 =	rddreg [dreg:$0x2];
	[bflag:$0x3] =	sbarrier.arrive $0xFFFF;
	s2 =	simm.s32 @!p0 $0x1C03  }
0x44: {  	[timem:s3], [sflag:s2] =	dma.local @!p0 [hbm:s0], s1  }
0x45: {  	s0 =	simm.s32 @!p0 $0x3  }
0x46: {  	_ =	swait.ge @!p0 [sflag:s0], s1  }
0x47: {  	s1 =	ssub.s32 @!p0 $0x0, s1;
	[sflag:s0] =	ssyncset.done @!p0 $0x0  }
0x48: {  	[sflag:s0] =	ssyncadd.s32 @!p0 s1  }
0x49: {  	[bflag:$0x3] =	sbarrier.arrive $0xFFFF  }
0x4a: {  	_ =	shalt  }

</sc_bundles>
